<compile_context>
chip_gen: v7x
topology: tpu7x:2x2x1
jax: 0.10.2.dev20260603
libtpu: 0.0.44.dev20260713+nightly
codegen_flags: <defaults>
</compile_context>

<pallas_src>
import jax
import jax.numpy as jnp
from jax.experimental import pallas as pl
from jax.experimental.pallas import tpu as pltpu

_N_PRE = 2000
_PAD = 2048
_N_POST = 1000
_NMS_T = 0.7
_MIN = 1e-3
_IMG = 1024.0
_BIG = 1e9


def _rpn_nms_body(bxt_ref, bxn_ref, sc_ref, out_ref, cl_ref, alive_ref):
    x1 = jnp.clip(bxt_ref[0:1, :], 0.0, _IMG)
    y1 = jnp.clip(bxt_ref[1:2, :], 0.0, _IMG)
    x2 = jnp.clip(bxt_ref[2:3, :], 0.0, _IMG)
    y2 = jnp.clip(bxt_ref[3:4, :], 0.0, _IMG)
    probs = sc_ref[0:1, :]
    ws = x2 - x1
    hs = y2 - y1
    valid = (ws >= _MIN) & (hs >= _MIN) & (probs > 0.0)
    area = (x2 - x1) * (y2 - y1)
    cl_ref[0:1, :] = x1
    cl_ref[1:2, :] = y1
    cl_ref[2:3, :] = x2
    cl_ref[3:4, :] = y2
    cl_ref[4:5, :] = area
    alive_ref[...] = jnp.where(valid, probs, -_BIG)
    out_ref[...] = jnp.zeros(out_ref.shape, jnp.float32)

    cols8 = jax.lax.broadcasted_iota(jnp.int32, (1, 8), 1)
    lane = jax.lax.broadcasted_iota(jnp.int32, (1, _PAD), 1)

    def first_argmax():
        av = alive_ref[...]
        m = jnp.max(av)
        idx = jnp.min(jnp.where(av == m, lane, _PAD))
        return m, idx

    def cond(state):
        c, m, idx = state
        return (c < _N_POST) & (m > (-_BIG / 2.0))

    def step(state):
        c, m, idx = state
        xs1 = cl_ref[0:1, :]
        ys1 = cl_ref[1:2, :]
        xs2 = cl_ref[2:3, :]
        ys2 = cl_ref[3:4, :]
        ar = cl_ref[4:5, :]
        rowv = jnp.clip(bxn_ref[pl.ds(idx, 1), :], 0.0, _IMG)
        xi1 = rowv[0, 0]
        yi1 = rowv[0, 1]
        xi2 = rowv[0, 2]
        yi2 = rowv[0, 3]
        ai = (xi2 - xi1) * (yi2 - yi1)
        xx1 = jnp.maximum(xi1, xs1)
        yy1 = jnp.maximum(yi1, ys1)
        xx2 = jnp.minimum(xi2, xs2)
        yy2 = jnp.minimum(yi2, ys2)
        inter = jnp.clip(xx2 - xx1, 0.0, None) * jnp.clip(yy2 - yy1, 0.0, None)
        iou = inter / (ai + ar - inter + 1e-9)
        supp = iou > _NMS_T
        alive_ref[...] = jnp.where(supp, -_BIG, alive_ref[...])
        row = (jnp.where(cols8 == 0, xi1, 0.0)
               + jnp.where(cols8 == 1, yi1, 0.0)
               + jnp.where(cols8 == 2, xi2, 0.0)
               + jnp.where(cols8 == 3, yi2, 0.0)
               + jnp.where(cols8 == 4, m, 0.0))
        out_ref[pl.ds(c, 1), :] = row
        nm, nidx = first_argmax()
        return (c + 1, nm, nidx)

    m0, idx0 = first_argmax()
    jax.lax.while_loop(cond, step, (0, m0, idx0))


def kernel(boxes, scores):
    probs = jax.nn.sigmoid(scores)
    top_probs, idx = jax.lax.top_k(probs, _N_PRE)
    top_boxes = jnp.take(boxes, idx, axis=0)

    bxt = jnp.zeros((8, _PAD), jnp.float32).at[0:4, :_N_PRE].set(top_boxes.T)
    bxn = jnp.zeros((_PAD, 8), jnp.float32).at[:_N_PRE, 0:4].set(top_boxes)
    sc = jnp.full((1, _PAD), -1.0, jnp.float32).at[0, :_N_PRE].set(top_probs)

    out = pl.pallas_call(
        _rpn_nms_body,
        out_shape=jax.ShapeDtypeStruct((1024, 8), jnp.float32),
        scratch_shapes=[
            pltpu.VMEM((8, _PAD), jnp.float32),
            pltpu.VMEM((1, _PAD), jnp.float32),
        ],
    )(bxt, bxn, sc)
    return out[:_N_POST, :5]

# --- scband reference (transcript-rebuilt; emitter-appended) ---
"""Pipeline reference for scband-region-proposal-network-39788577030943 (READ-ONLY COPY).

The authoritative reference and input builder live on the scoring server;
editing this copy changes nothing except your own understanding.
"""

import jax, jax.numpy as jnp
import numpy as np

N = 20000
PRE_NMS_TOP_N = 2000
POST_NMS_TOP_N = 1000
NMS_THRESH = 0.7
SCORE_THRESH = 0.0
MIN_SIZE = 1e-3
IMG_SIZE = 1024.0
BIG = 1e9


def setup_inputs(seed: int = 0):
    key = jax.random.key(seed)
    k1, k2, k3 = jax.random.split(key, 3)
    xy = jax.random.uniform(k1, (N, 2), minval=0.0, maxval=IMG_SIZE - 64.0)
    wh = jax.random.uniform(k2, (N, 2), minval=1.0, maxval=256.0)
    boxes = jnp.concatenate([xy, xy + wh], axis=1).astype(jnp.float32)
    scores = jax.random.normal(k3, (N,), dtype=jnp.float32)
    return {"boxes": boxes, "scores": scores}


def _iou_one_vs_all(box, boxes):
    # IoU of a single [4] box against [M, 4] boxes (xyxy format),
    # same math as torchvision box_ops.box_iou.
    x1 = jnp.maximum(box[0], boxes[:, 0])
    y1 = jnp.maximum(box[1], boxes[:, 1])
    x2 = jnp.minimum(box[2], boxes[:, 2])
    y2 = jnp.minimum(box[3], boxes[:, 3])
    inter = jnp.clip(x2 - x1, 0.0, None) * jnp.clip(y2 - y1, 0.0, None)
    area_a = (box[2] - box[0]) * (box[3] - box[1])
    area_b = (boxes[:, 2] - boxes[:, 0]) * (boxes[:, 3] - boxes[:, 1])
    return inter / (area_a + area_b - inter + 1e-9)


def reference(boxes, scores):
    # RPN filter_proposals path for one image / one feature level:
    # 1) objectness logits -> probabilities
    probs = jax.nn.sigmoid(scores)
    # 2) keep pre_nms_top_n proposals by objectness (_get_top_n_idx)
    top_scores, idx = jax.lax.top_k(probs, PRE_NMS_TOP_N)
    top_boxes = jnp.take(boxes, idx, axis=0)
    # 3) clip boxes to image (clip_boxes_to_image)
    top_boxes = jnp.clip(top_boxes, 0.0, IMG_SIZE)
    # 4) remove small boxes (min_size) and apply score_thresh
    ws = top_boxes[:, 2] - top_boxes[:, 0]
    hs = top_boxes[:, 3] - top_boxes[:, 1]
    valid = (ws >= MIN_SIZE) & (hs >= MIN_SIZE) & (top_scores > SCORE_THRESH)
    masked = jnp.where(valid, top_scores, -BIG)

    # 5) greedy NMS, keep post_nms_top_n (fixed-size padded output)
    def step(avail, _):
        i = jnp.argmax(avail)
        s = avail[i]
        b = top_boxes[i]
        keep = s > (-BIG / 2.0)
        ious = _iou_one_vs_all(b, top_boxes)
        suppress = (ious > NMS_THRESH) & keep
        new_avail = jnp.where(suppress, -BIG, avail)
        new_avail = new_avail.at[i].set(-BIG)
        out_box = jnp.where(keep, b, jnp.zeros_like(b))
        out_score = jnp.where(keep, s, 0.0)
        return new_avail, jnp.concatenate([out_box, out_score[None]], axis=0)

    _, out = jax.lax.scan(step, masked, None, length=POST_NMS_TOP_N)
    # out: [POST_NMS_TOP_N, 5] = (x1, y1, x2, y2, score), zero-padded
    return out

if __name__ == "__main__":
    import jax
    _d = setup_inputs()
    print(jax.jit(kernel)(*tuple(_d.values())))

</pallas_src>

<mosaic_0001>
module attributes {stable_mosaic.version = 14 : i64} {
  func.func @_rpn_nms_body(%arg0: memref<8x2048xf32, #tpu.memory_space<vmem>>, %arg1: memref<2048x8xf32, #tpu.memory_space<vmem>>, %arg2: memref<1x2048xf32, #tpu.memory_space<vmem>>, %arg3: memref<1024x8xf32, #tpu.memory_space<vmem>>, %arg4: memref<8x2048xf32, #tpu.memory_space<vmem>>, %arg5: memref<1x2048xf32, #tpu.memory_space<vmem>>) attributes {dimension_semantics = [], scalar_prefetch = 0 : i64, scratch_operands = 2 : i64, tpu.core_type = #tpu.core_type<tc>} {
    %get3A = arith.constant 0 : index
    %get3A_0 = arith.constant 0 : index
    %get3A_1 = vector.load %arg0[%get3A, %get3A_0] : memref<8x2048xf32, #tpu.memory_space<vmem>>, vector<1x2048xf32>
    %jit3A = arith.constant 0.000000e+00 : f32
    %jit3A_2 = arith.constant 1.024000e+03 : f32
    %max3A = vector.broadcast %jit3A : f32 to vector<1x2048xf32>
    %max3A_3 = arith.maximumf %max3A, %get3A_1 : vector<1x2048xf32>
    %min3A = vector.broadcast %jit3A_2 : f32 to vector<1x2048xf32>
    %min3A_4 = arith.minimumf %min3A, %max3A_3 : vector<1x2048xf32>
    %get3A_5 = arith.constant 1 : index
    %get3A_6 = arith.constant 0 : index
    %get3A_7 = vector.load %arg0[%get3A_5, %get3A_6] : memref<8x2048xf32, #tpu.memory_space<vmem>>, vector<1x2048xf32>
    %jit3A_8 = arith.constant 0.000000e+00 : f32
    %jit3A_9 = arith.constant 1.024000e+03 : f32
    %max3A_10 = vector.broadcast %jit3A_8 : f32 to vector<1x2048xf32>
    %max3A_11 = arith.maximumf %max3A_10, %get3A_7 : vector<1x2048xf32>
    %min3A_12 = vector.broadcast %jit3A_9 : f32 to vector<1x2048xf32>
    %min3A_13 = arith.minimumf %min3A_12, %max3A_11 : vector<1x2048xf32>
    %get3A_14 = arith.constant 2 : index
    %get3A_15 = arith.constant 0 : index
    %get3A_16 = vector.load %arg0[%get3A_14, %get3A_15] : memref<8x2048xf32, #tpu.memory_space<vmem>>, vector<1x2048xf32>
    %jit3A_17 = arith.constant 0.000000e+00 : f32
    %jit3A_18 = arith.constant 1.024000e+03 : f32
    %max3A_19 = vector.broadcast %jit3A_17 : f32 to vector<1x2048xf32>
    %max3A_20 = arith.maximumf %max3A_19, %get3A_16 : vector<1x2048xf32>
    %min3A_21 = vector.broadcast %jit3A_18 : f32 to vector<1x2048xf32>
    %min3A_22 = arith.minimumf %min3A_21, %max3A_20 : vector<1x2048xf32>
    %get3A_23 = arith.constant 3 : index
    %get3A_24 = arith.constant 0 : index
    %get3A_25 = vector.load %arg0[%get3A_23, %get3A_24] : memref<8x2048xf32, #tpu.memory_space<vmem>>, vector<1x2048xf32>
    %jit3A_26 = arith.constant 0.000000e+00 : f32
    %jit3A_27 = arith.constant 1.024000e+03 : f32
    %max3A_28 = vector.broadcast %jit3A_26 : f32 to vector<1x2048xf32>
    %max3A_29 = arith.maximumf %max3A_28, %get3A_25 : vector<1x2048xf32>
    %min3A_30 = vector.broadcast %jit3A_27 : f32 to vector<1x2048xf32>
    %min3A_31 = arith.minimumf %min3A_30, %max3A_29 : vector<1x2048xf32>
    %get3A_32 = arith.constant 0 : index
    %get3A_33 = arith.constant 0 : index
    %get3A_34 = vector.load %arg2[%get3A_32, %get3A_33] : memref<1x2048xf32, #tpu.memory_space<vmem>>, vector<1x2048xf32>
    %sub3A = arith.subf %min3A_22, %min3A_4 : vector<1x2048xf32>
    %sub3A_35 = arith.subf %min3A_31, %min3A_13 : vector<1x2048xf32>
    %ge3A = arith.constant 1.000000e-03 : f32
    %ge3A_36 = vector.broadcast %ge3A : f32 to vector<1x2048xf32>
    %ge3A_37 = arith.cmpf oge, %sub3A, %ge3A_36 : vector<1x2048xf32>
    %ge3A_38 = arith.constant 1.000000e-03 : f32
    %ge3A_39 = vector.broadcast %ge3A_38 : f32 to vector<1x2048xf32>
    %ge3A_40 = arith.cmpf oge, %sub3A_35, %ge3A_39 : vector<1x2048xf32>
    %and3A = arith.andi %ge3A_37, %ge3A_40 : vector<1x2048xi1>
    %gt3A = arith.constant 0.000000e+00 : f32
    %gt3A_41 = vector.broadcast %gt3A : f32 to vector<1x2048xf32>
    %gt3A_42 = arith.cmpf ogt, %get3A_34, %gt3A_41 : vector<1x2048xf32>
    %and3A_43 = arith.andi %and3A, %gt3A_42 : vector<1x2048xi1>
    %sub3A_44 = arith.subf %min3A_22, %min3A_4 : vector<1x2048xf32>
    %sub3A_45 = arith.subf %min3A_31, %min3A_13 : vector<1x2048xf32>
    %mul3A = arith.mulf %sub3A_44, %sub3A_45 : vector<1x2048xf32>
    %swap3A = arith.constant 0 : index
    %swap3A_46 = arith.constant 0 : index
    %swap3A_47 = vector.load %arg4[%swap3A, %swap3A_46] : memref<8x2048xf32, #tpu.memory_space<vmem>>, vector<1x2048xf32>
    tpu.vector_store %arg4[%swap3A, %swap3A_46], %min3A_4 {strides = array<i32>} : memref<8x2048xf32, #tpu.memory_space<vmem>>, vector<1x2048xf32>,
    %swap3A_48 = arith.constant 1 : index
    %swap3A_49 = arith.constant 0 : index
    %swap3A_50 = vector.load %arg4[%swap3A_48, %swap3A_49] : memref<8x2048xf32, #tpu.memory_space<vmem>>, vector<1x2048xf32>
    tpu.vector_store %arg4[%swap3A_48, %swap3A_49], %min3A_13 {strides = array<i32>} : memref<8x2048xf32, #tpu.memory_space<vmem>>, vector<1x2048xf32>,
    %swap3A_51 = arith.constant 2 : index
    %swap3A_52 = arith.constant 0 : index
    %swap3A_53 = vector.load %arg4[%swap3A_51, %swap3A_52] : memref<8x2048xf32, #tpu.memory_space<vmem>>, vector<1x2048xf32>
    tpu.vector_store %arg4[%swap3A_51, %swap3A_52], %min3A_22 {strides = array<i32>} : memref<8x2048xf32, #tpu.memory_space<vmem>>, vector<1x2048xf32>,
    %swap3A_54 = arith.constant 3 : index
    %swap3A_55 = arith.constant 0 : index
    %swap3A_56 = vector.load %arg4[%swap3A_54, %swap3A_55] : memref<8x2048xf32, #tpu.memory_space<vmem>>, vector<1x2048xf32>
    tpu.vector_store %arg4[%swap3A_54, %swap3A_55], %min3A_31 {strides = array<i32>} : memref<8x2048xf32, #tpu.memory_space<vmem>>, vector<1x2048xf32>,
    %swap3A_57 = arith.constant 4 : index
    %swap3A_58 = arith.constant 0 : index
    %swap3A_59 = vector.load %arg4[%swap3A_57, %swap3A_58] : memref<8x2048xf32, #tpu.memory_space<vmem>>, vector<1x2048xf32>
    tpu.vector_store %arg4[%swap3A_57, %swap3A_58], %mul3A {strides = array<i32>} : memref<8x2048xf32, #tpu.memory_space<vmem>>, vector<1x2048xf32>,
    %jit3A_60 = arith.constant -1.000000e+09 : f32
    %broadcast_in_dim3A = vector.broadcast %jit3A_60 : f32 to vector<1x2048xf32>
    %select_n3A = arith.select %and3A_43, %get3A_34, %broadcast_in_dim3A : vector<1x2048xi1>, vector<1x2048xf32>
    %swap3A_61 = arith.constant 0 : index
    %swap3A_62 = arith.constant 0 : index
    %swap3A_63 = vector.load %arg5[%swap3A_61, %swap3A_62] : memref<1x2048xf32, #tpu.memory_space<vmem>>, vector<1x2048xf32>
    tpu.vector_store %arg5[%swap3A_61, %swap3A_62], %select_n3A {strides = array<i32>} : memref<1x2048xf32, #tpu.memory_space<vmem>>, vector<1x2048xf32>,
    %broadcast_in_dim3A_64 = arith.constant 0.000000e+00 : f32
    %broadcast_in_dim3A_65 = vector.broadcast %broadcast_in_dim3A_64 : f32 to vector<1024x8xf32>
    %swap3A_66 = arith.constant 0 : index
    %swap3A_67 = arith.constant 0 : index
    %swap3A_68 = vector.load %arg3[%swap3A_66, %swap3A_67] : memref<1024x8xf32, #tpu.memory_space<vmem>>, vector<1024x8xf32>
    tpu.vector_store %arg3[%swap3A_66, %swap3A_67], %broadcast_in_dim3A_65 {strides = array<i32>} : memref<1024x8xf32, #tpu.memory_space<vmem>>, vector<1024x8xf32>,
    %iota3A = tpu.iota {dimensions = array<i32: 1>} : vector<1x8xi32>
    %iota3A_69 = tpu.iota {dimensions = array<i32: 1>} : vector<1x2048xi32>
    %get3A_70 = arith.constant 0 : index
    %get3A_71 = arith.constant 0 : index
    %get3A_72 = vector.load %arg5[%get3A_70, %get3A_71] : memref<1x2048xf32, #tpu.memory_space<vmem>>, vector<1x2048xf32>
    %reduce_max3A = vector.shape_cast %get3A_72 : vector<1x2048xf32> to vector<1x1x2048xf32>
    %reduce_max3A_73 = arith.constant dense<0xFF800000> : vector<1xf32>
    %reduce_max3A_74 = vector.multi_reduction <maximumf>, %reduce_max3A, %reduce_max3A_73 [1, 2] : vector<1x1x2048xf32> to vector<1xf32>
    %reduce_max3A_75 = vector.shape_cast %reduce_max3A_74 : vector<1xf32> to vector<1x1x1xf32>
    %reduce_max3A_76 = vector.extract %reduce_max3A_75[0, 0, 0] : f32 from vector<1x1x1xf32>
    %eq3A = vector.broadcast %reduce_max3A_76 : f32 to vector<1x2048xf32>
    %eq3A_77 = arith.cmpf oeq, %get3A_72, %eq3A : vector<1x2048xf32>
    %jit3A_78 = arith.constant 2048 : i32
    %broadcast_in_dim3A_79 = vector.broadcast %jit3A_78 : i32 to vector<1x2048xi32>
    %select_n3A_80 = arith.select %eq3A_77, %iota3A_69, %broadcast_in_dim3A_79 : vector<1x2048xi1>, vector<1x2048xi32>
    %reduce_min3A = vector.shape_cast %select_n3A_80 : vector<1x2048xi32> to vector<1x1x2048xi32>
    %reduce_min3A_81 = arith.constant dense<2147483647> : vector<1xi32>
    %reduce_min3A_82 = vector.multi_reduction <minsi>, %reduce_min3A, %reduce_min3A_81 [1, 2] : vector<1x1x2048xi32> to vector<1xi32>
    %reduce_min3A_83 = vector.shape_cast %reduce_min3A_82 : vector<1xi32> to vector<1x1x1xi32>
    %reduce_min3A_84 = vector.extract %reduce_min3A_83[0, 0, 0] : i32 from vector<1x1x1xi32>
    %while3A = arith.constant 0 : i32
    %while3A_85:3 = scf.while (%while3A_86 = %while3A, %while3A_87 = %reduce_max3A_76, %while3A_88 = %reduce_min3A_84) : (i32, f32, i32) -> (i32, f32, i32) {
      %lt3A = arith.constant 1000 : i32
      %lt3A_89 = arith.cmpi slt, %while3A_86, %lt3A : i32
      %gt3A_90 = arith.constant -5.000000e+08 : f32
      %gt3A_91 = arith.cmpf ogt, %while3A_87, %gt3A_90 : f32
      %and3A_92 = arith.andi %lt3A_89, %gt3A_91 : i1
      scf.condition(%and3A_92) %while3A_86, %while3A_87, %while3A_88 : i32, f32, i32
    } do {
    ^bb0(%while3A_86: i32, %while3A_87: f32, %while3A_88: i32):
      %get3A_89 = arith.constant 0 : index
      %get3A_90 = arith.constant 0 : index
      %get3A_91 = vector.load %arg4[%get3A_89, %get3A_90] : memref<8x2048xf32, #tpu.memory_space<vmem>>, vector<1x2048xf32>
      %get3A_92 = arith.constant 1 : index
      %get3A_93 = arith.constant 0 : index
      %get3A_94 = vector.load %arg4[%get3A_92, %get3A_93] : memref<8x2048xf32, #tpu.memory_space<vmem>>, vector<1x2048xf32>
      %get3A_95 = arith.constant 2 : index
      %get3A_96 = arith.constant 0 : index
      %get3A_97 = vector.load %arg4[%get3A_95, %get3A_96] : memref<8x2048xf32, #tpu.memory_space<vmem>>, vector<1x2048xf32>
      %get3A_98 = arith.constant 3 : index
      %get3A_99 = arith.constant 0 : index
      %get3A_100 = vector.load %arg4[%get3A_98, %get3A_99] : memref<8x2048xf32, #tpu.memory_space<vmem>>, vector<1x2048xf32>
      %get3A_101 = arith.constant 4 : index
      %get3A_102 = arith.constant 0 : index
      %get3A_103 = vector.load %arg4[%get3A_101, %get3A_102] : memref<8x2048xf32, #tpu.memory_space<vmem>>, vector<1x2048xf32>
      %get3A_104 = arith.index_cast %while3A_88 : i32 to index
      %get3A_105 = arith.constant 0 : index
      %get3A_106 = vector.load %arg1[%get3A_104, %get3A_105] : memref<2048x8xf32, #tpu.memory_space<vmem>>, vector<1x8xf32>
      %jit3A_107 = arith.constant 0.000000e+00 : f32
      %jit3A_108 = arith.constant 1.024000e+03 : f32
      %max3A_109 = vector.broadcast %jit3A_107 : f32 to vector<1x8xf32>
      %max3A_110 = arith.maximumf %max3A_109, %get3A_106 : vector<1x8xf32>
      %min3A_111 = vector.broadcast %jit3A_108 : f32 to vector<1x8xf32>
      %min3A_112 = arith.minimumf %min3A_111, %max3A_110 : vector<1x8xf32>
      %slice3A = vector.extract_strided_slice %min3A_112 {offsets = [0, 0], sizes = [1, 1], strides = [1, 1]} : vector<1x8xf32> to vector<1x1xf32>
      %squeeze3A = vector.extract %slice3A[0, 0] : f32 from vector<1x1xf32>
      %slice3A_113 = vector.extract_strided_slice %min3A_112 {offsets = [0, 1], sizes = [1, 1], strides = [1, 1]} : vector<1x8xf32> to vector<1x1xf32>
      %squeeze3A_114 = vector.extract %slice3A_113[0, 0] : f32 from vector<1x1xf32>
      %slice3A_115 = vector.extract_strided_slice %min3A_112 {offsets = [0, 2], sizes = [1, 1], strides = [1, 1]} : vector<1x8xf32> to vector<1x1xf32>
      %squeeze3A_116 = vector.extract %slice3A_115[0, 0] : f32 from vector<1x1xf32>
      %slice3A_117 = vector.extract_strided_slice %min3A_112 {offsets = [0, 3], sizes = [1, 1], strides = [1, 1]} : vector<1x8xf32> to vector<1x1xf32>
      %squeeze3A_118 = vector.extract %slice3A_117[0, 0] : f32 from vector<1x1xf32>
      %sub3A_119 = arith.subf %squeeze3A_116, %squeeze3A : f32
      %sub3A_120 = arith.subf %squeeze3A_118, %squeeze3A_114 : f32
      %mul3A_121 = arith.mulf %sub3A_119, %sub3A_120 : f32
      %max3A_122 = vector.broadcast %squeeze3A : f32 to vector<1x2048xf32>
      %max3A_123 = arith.maximumf %max3A_122, %get3A_91 : vector<1x2048xf32>
      %max3A_124 = vector.broadcast %squeeze3A_114 : f32 to vector<1x2048xf32>
      %max3A_125 = arith.maximumf %max3A_124, %get3A_94 : vector<1x2048xf32>
      %min3A_126 = vector.broadcast %squeeze3A_116 : f32 to vector<1x2048xf32>
      %min3A_127 = arith.minimumf %min3A_126, %get3A_97 : vector<1x2048xf32>
      %min3A_128 = vector.broadcast %squeeze3A_118 : f32 to vector<1x2048xf32>
      %min3A_129 = arith.minimumf %min3A_128, %get3A_100 : vector<1x2048xf32>
      %sub3A_130 = arith.subf %min3A_127, %max3A_123 : vector<1x2048xf32>
      %jit3A_131 = arith.constant 0.000000e+00 : f32
      %max3A_132 = vector.broadcast %jit3A_131 : f32 to vector<1x2048xf32>
      %max3A_133 = arith.maximumf %max3A_132, %sub3A_130 : vector<1x2048xf32>
      %sub3A_134 = arith.subf %min3A_129, %max3A_125 : vector<1x2048xf32>
      %jit3A_135 = arith.constant 0.000000e+00 : f32
      %max3A_136 = vector.broadcast %jit3A_135 : f32 to vector<1x2048xf32>
      %max3A_137 = arith.maximumf %max3A_136, %sub3A_134 : vector<1x2048xf32>
      %mul3A_138 = arith.mulf %max3A_133, %max3A_137 : vector<1x2048xf32>
      %add3A = vector.broadcast %mul3A_121 : f32 to vector<1x2048xf32>
      %add3A_139 = arith.addf %add3A, %get3A_103 : vector<1x2048xf32>
      %sub3A_140 = arith.subf %add3A_139, %mul3A_138 : vector<1x2048xf32>
      %add3A_141 = arith.constant 9.99999971E-10 : f32
      %add3A_142 = vector.broadcast %add3A_141 : f32 to vector<1x2048xf32>
      %add3A_143 = arith.addf %sub3A_140, %add3A_142 : vector<1x2048xf32>
      %div3A = arith.divf %mul3A_138, %add3A_143 : vector<1x2048xf32>
      %gt3A_144 = arith.constant 0.699999988 : f32
      %gt3A_145 = vector.broadcast %gt3A_144 : f32 to vector<1x2048xf32>
      %gt3A_146 = arith.cmpf ogt, %div3A, %gt3A_145 : vector<1x2048xf32>
      %get3A_147 = arith.constant 0 : index
      %get3A_148 = arith.constant 0 : index
      %get3A_149 = vector.load %arg5[%get3A_147, %get3A_148] : memref<1x2048xf32, #tpu.memory_space<vmem>>, vector<1x2048xf32>
      %jit3A_150 = arith.constant -1.000000e+09 : f32
      %broadcast_in_dim3A_151 = vector.broadcast %jit3A_150 : f32 to vector<1x2048xf32>
      %select_n3A_152 = arith.select %gt3A_146, %broadcast_in_dim3A_151, %get3A_149 : vector<1x2048xi1>, vector<1x2048xf32>
      %swap3A_153 = arith.constant 0 : index
      %swap3A_154 = arith.constant 0 : index
      %swap3A_155 = vector.load %arg5[%swap3A_153, %swap3A_154] : memref<1x2048xf32, #tpu.memory_space<vmem>>, vector<1x2048xf32>
      tpu.vector_store %arg5[%swap3A_153, %swap3A_154], %select_n3A_152 {strides = array<i32>} : memref<1x2048xf32, #tpu.memory_space<vmem>>, vector<1x2048xf32>,
      %eq3A_156 = arith.constant 0 : i32
      %eq3A_157 = vector.broadcast %eq3A_156 : i32 to vector<1x8xi32>
      %eq3A_158 = arith.cmpi eq, %iota3A, %eq3A_157 : vector<1x8xi32>
      %jit3A_159 = arith.constant 0.000000e+00 : f32
      %broadcast_in_dim3A_160 = vector.broadcast %squeeze3A : f32 to vector<1x8xf32>
      %broadcast_in_dim3A_161 = vector.broadcast %jit3A_159 : f32 to vector<1x8xf32>
      %select_n3A_162 = arith.select %eq3A_158, %broadcast_in_dim3A_160, %broadcast_in_dim3A_161 : vector<1x8xi1>, vector<1x8xf32>
      %eq3A_163 = arith.constant 1 : i32
      %eq3A_164 = vector.broadcast %eq3A_163 : i32 to vector<1x8xi32>
      %eq3A_165 = arith.cmpi eq, %iota3A, %eq3A_164 : vector<1x8xi32>
      %jit3A_166 = arith.constant 0.000000e+00 : f32
      %broadcast_in_dim3A_167 = vector.broadcast %squeeze3A_114 : f32 to vector<1x8xf32>
      %broadcast_in_dim3A_168 = vector.broadcast %jit3A_166 : f32 to vector<1x8xf32>
      %select_n3A_169 = arith.select %eq3A_165, %broadcast_in_dim3A_167, %broadcast_in_dim3A_168 : vector<1x8xi1>, vector<1x8xf32>
      %add3A_170 = arith.addf %select_n3A_162, %select_n3A_169 : vector<1x8xf32>
      %eq3A_171 = arith.constant 2 : i32
      %eq3A_172 = vector.broadcast %eq3A_171 : i32 to vector<1x8xi32>
      %eq3A_173 = arith.cmpi eq, %iota3A, %eq3A_172 : vector<1x8xi32>
      %jit3A_174 = arith.constant 0.000000e+00 : f32
      %broadcast_in_dim3A_175 = vector.broadcast %squeeze3A_116 : f32 to vector<1x8xf32>
      %broadcast_in_dim3A_176 = vector.broadcast %jit3A_174 : f32 to vector<1x8xf32>
      %select_n3A_177 = arith.select %eq3A_173, %broadcast_in_dim3A_175, %broadcast_in_dim3A_176 : vector<1x8xi1>, vector<1x8xf32>
      %add3A_178 = arith.addf %add3A_170, %select_n3A_177 : vector<1x8xf32>
      %eq3A_179 = arith.constant 3 : i32
      %eq3A_180 = vector.broadcast %eq3A_179 : i32 to vector<1x8xi32>
      %eq3A_181 = arith.cmpi eq, %iota3A, %eq3A_180 : vector<1x8xi32>
      %jit3A_182 = arith.constant 0.000000e+00 : f32
      %broadcast_in_dim3A_183 = vector.broadcast %squeeze3A_118 : f32 to vector<1x8xf32>
      %broadcast_in_dim3A_184 = vector.broadcast %jit3A_182 : f32 to vector<1x8xf32>
      %select_n3A_185 = arith.select %eq3A_181, %broadcast_in_dim3A_183, %broadcast_in_dim3A_184 : vector<1x8xi1>, vector<1x8xf32>
      %add3A_186 = arith.addf %add3A_178, %select_n3A_185 : vector<1x8xf32>
      %eq3A_187 = arith.constant 4 : i32
      %eq3A_188 = vector.broadcast %eq3A_187 : i32 to vector<1x8xi32>
      %eq3A_189 = arith.cmpi eq, %iota3A, %eq3A_188 : vector<1x8xi32>
      %jit3A_190 = arith.constant 0.000000e+00 : f32
      %broadcast_in_dim3A_191 = vector.broadcast %while3A_87 : f32 to vector<1x8xf32>
      %broadcast_in_dim3A_192 = vector.broadcast %jit3A_190 : f32 to vector<1x8xf32>
      %select_n3A_193 = arith.select %eq3A_189, %broadcast_in_dim3A_191, %broadcast_in_dim3A_192 : vector<1x8xi1>, vector<1x8xf32>
      %add3A_194 = arith.addf %add3A_186, %select_n3A_193 : vector<1x8xf32>
      %swap3A_195 = arith.index_cast %while3A_86 : i32 to index
      %swap3A_196 = arith.constant 0 : index
      %swap3A_197 = vector.load %arg3[%swap3A_195, %swap3A_196] : memref<1024x8xf32, #tpu.memory_space<vmem>>, vector<1x8xf32>
      tpu.vector_store %arg3[%swap3A_195, %swap3A_196], %add3A_194 {strides = array<i32>} : memref<1024x8xf32, #tpu.memory_space<vmem>>, vector<1x8xf32>,
      %get3A_198 = arith.constant 0 : index
      %get3A_199 = arith.constant 0 : index
      %get3A_200 = vector.load %arg5[%get3A_198, %get3A_199] : memref<1x2048xf32, #tpu.memory_space<vmem>>, vector<1x2048xf32>
      %reduce_max3A_201 = vector.shape_cast %get3A_200 : vector<1x2048xf32> to vector<1x1x2048xf32>
      %reduce_max3A_202 = arith.constant dense<0xFF800000> : vector<1xf32>
      %reduce_max3A_203 = vector.multi_reduction <maximumf>, %reduce_max3A_201, %reduce_max3A_202 [1, 2] : vector<1x1x2048xf32> to vector<1xf32>
      %reduce_max3A_204 = vector.shape_cast %reduce_max3A_203 : vector<1xf32> to vector<1x1x1xf32>
      %reduce_max3A_205 = vector.extract %reduce_max3A_204[0, 0, 0] : f32 from vector<1x1x1xf32>
      %eq3A_206 = vector.broadcast %reduce_max3A_205 : f32 to vector<1x2048xf32>
      %eq3A_207 = arith.cmpf oeq, %get3A_200, %eq3A_206 : vector<1x2048xf32>
      %jit3A_208 = arith.constant 2048 : i32
      %broadcast_in_dim3A_209 = vector.broadcast %jit3A_208 : i32 to vector<1x2048xi32>
      %select_n3A_210 = arith.select %eq3A_207, %iota3A_69, %broadcast_in_dim3A_209 : vector<1x2048xi1>, vector<1x2048xi32>
      %reduce_min3A_211 = vector.shape_cast %select_n3A_210 : vector<1x2048xi32> to vector<1x1x2048xi32>
      %reduce_min3A_212 = arith.constant dense<2147483647> : vector<1xi32>
      %reduce_min3A_213 = vector.multi_reduction <minsi>, %reduce_min3A_211, %reduce_min3A_212 [1, 2] : vector<1x1x2048xi32> to vector<1xi32>
      %reduce_min3A_214 = vector.shape_cast %reduce_min3A_213 : vector<1xi32> to vector<1x1x1xi32>
      %reduce_min3A_215 = vector.extract %reduce_min3A_214[0, 0, 0] : i32 from vector<1x1x1xi32>
      %add3A_216 = arith.constant 1 : i32
      %add3A_217 = arith.addi %while3A_86, %add3A_216 : i32
      scf.yield %add3A_217, %reduce_max3A_205, %reduce_min3A_215 : i32, f32, i32
    }
    return
  }
}

</mosaic_0001>

<sc_bundles>
// kernel: gather_offload_async_start
scs
__scs_entry_jumppad:
0x0: {  	(pc) =	sbr.rel $0x88, $3  }
0x1: {  	(tag) =	ssettag $0x0;
	lr =	simm.s32 $0x1  }
0x2: {  	[smem:$0x3F9F] =	sst lr;
	_ =	strace $0xD0000000  }
0x3: {  	_ = 	snop  }
0x4: {  	_ = 	snop  }
0x5: {  	_ = 	snop  }
0x6: {  	_ = 	snop  }
0x7: {  	_ = 	snop  }
__scs_overlays_trampoline_lowered:
0x8: {  	[smem:$0x3FAE] =	sst s0  }
0x9: {  	[smem:$0x3FAF] =	sst s1  }
0xa: {  	[smem:$0x3FB0] =	sst s2  }
0xb: {  	[smem:$0x3FB1] =	sst s3  }
0xc: {  	[smem:$0x3FB2] =	sst s4  }
0xd: {  	[smem:$0x3FB3] =	sst s5  }
0xe: {  	[smem:$0x3FB4] =	sst s6  }
0xf: {  	[smem:$0x3FB5] =	sst s7  }
0x10: {  	[smem:$0x3FB6] =	sst s8  }
0x11: {  	[smem:$0x3FB7] =	sst s9;
	s0 =	simm.s32 @!p0 $0x0  }
0x12: {  	s1 =	sld [smem:$0x3F9D];
	s0 =	simm.s32 @p0 $0x1  }
0x13: {  	[smem:$0x3FB8] =	sst s0;
	s0 =	simm.s32 @!p1 $0x0  }
0x14: {  	s2 =	sld [smem:$0x3F9C];
	s0 =	simm.s32 @p1 $0x1  }
0x15: {  	[smem:$0x3FB9] =	sst s0;
	s0 =	simm.s32 @!p2 $0x0  }
0x16: {  	s3 =	sld [smem:$0x3FDB];
	s0 =	simm.s32 @p2 $0x1  }
0x17: {  	s4 =	simm.s32 $0x1BF5;
	[smem:$0x3FBB] =	sst s0  }
0x18: {  	s0 =	sld [smem:$0x3F9E];
	_ =	swait.ge [sflag:s4], $0x0  }
0x19: {  	s7 =	sld [smem:$0x3F9F]  }
0x1a: {  	s8 =	sadd.s32 $0xFFFFE003, lr  }
0x1b: {  	s9 =	sadd.s32 $0xFFFFFEF7, lr;
	s5 =	simm.s32 $0xFFFFFFFF;
	p2 =	slt.u32 s8, $0xFFFFF086  }
0x1c: {  	p1 =	slt.u32 s9, $0xF7A;
	s5 =	simm.s32 @!p2 $0x0  }
0x1d: {  	s5 =	simm.s32 @p1 $0x1;
	p0 =	seq.s32 s7, s2  }
0x1e: {  	s7 =	smul.u32 @!p0 $0xF7A, s2;
	p2 =	seq.s32 @!p0 s5, $0x0  }
0x1f: {  	s9 =	smul.u32 $0xF7A, s1;
	s8 =	simm.s32 @!p0 $0x1BF5;
	p2 =	por !p2, p0  }
0x20: {  	[sflag:s8] =	ssyncset.s32 @!p0 $0xFFFFF086;
	s6 =	sadd.s32 @!p0 s3, s7;
	s7 =	simm.s32 @!p0 $0x108  }
0x21: {  	s3 =	sadd.s32 s3, s9;
	s6 =	sadd.s32 @!p0 $0x88, s6;
	s7 =	simm.s32 @p2 $0x1082  }
0x22: {  	[simem:s7], [sflag:s8] =	dma.local @!p0 [hbm:s6], $0xF7A  }
0x23: {  	s9 =	sor.u32 $0xD0000000, s2;
	s6 =	simm.s32 $0x108;
	_ =	swait.ge @!p0 [sflag:s8], $0x0  }
0x24: {  	s3 =	sadd.s32 $0x88, s3;
	s6 =	simm.s32 @!p1 $0x1082;
	[sflag:s4] =	ssyncset.s32 $0xFFFFF086  }
0x25: {  	[simem:s6], [sflag:s4] =	dma.local [hbm:s3], $0xF7A  }
0x26: {  	[smem:$0x3F9F] =	sst s1;
	(tag) =	ssettag s2;
	_ =	strace s9  }
0x27: {  	s1 =	sld [smem:$0x3FAF]  }
0x28: {  	s2 =	sld [smem:$0x3FB0]  }
0x29: {  	s4 =	sld [smem:$0x3FB2]  }
0x2a: {  	p0 =	seq.s32 s5, $0x0;
	s5 =	sld [smem:$0x3FB3]  }
0x2b: {  	s6 =	sld [smem:$0x3FB4]  }
0x2c: {  	s7 =	sld [smem:$0x3FB5]  }
0x2d: {  	s3 =	simm.s32 $0x108;
	s8 =	sld [smem:$0x3FB6]  }
0x2e: {  	s3 =	simm.s32 @!p0 $0x1082;
	s9 =	sld [smem:$0x3FB7]  }
0x2f: {  	lr =	sadd.s32 s0, s3;
	s0 =	sld [smem:$0x3FAE]  }
0x30: {  	s3 =	sld [smem:$0x3FB1]  }
0x31: {  	[smem:$0x3FBA] =	sst s10  }
0x32: {  	s10 =	sld [smem:$0x3FB8];
	_ =	sdelay $0x3  }
0x33: {  	p0 =	seq.s32 s10, $0x1;
	s10 =	sld [smem:$0x3FBA];
	_ =	sdelay $0x3  }
0x34: {  	[smem:$0x3FBA] =	sst s10  }
0x35: {  	s10 =	sld [smem:$0x3FB9];
	_ =	sdelay $0x3  }
0x36: {  	p1 =	seq.s32 s10, $0x1;
	s10 =	sld [smem:$0x3FBA];
	_ =	sdelay $0x3  }
0x37: {  	[smem:$0x3FBA] =	sst s10  }
0x38: {  	s10 =	sld [smem:$0x3FBB]  }
0x39: {  	_ = 	snop;
	(pc) =	sbr.ind lr, $3  }
0x3a: {  	_ = 	snop  }
0x3b: {  	_ = 	snop  }
0x3c: {  	p2 =	seq.s32 s10, $0x1;
	s10 =	sld [smem:$0x3FBA]  }
0x3d: {  	_ =	shalt  }
0x3e: {  	_ =	shalt  }
0x3f: {  	_ =	shalt  }
0x40: {  	_ =	shalt  }
0x41: {  	_ =	shalt  }
0x42: {  	_ =	shalt  }
0x43: {  	_ =	shalt  }
0x44: {  	_ =	shalt  }
0x45: {  	_ =	shalt  }
0x46: {  	_ =	shalt  }
0x47: {  	_ =	shalt  }
0x48: {  	_ =	shalt  }
0x49: {  	_ =	shalt  }
0x4a: {  	_ =	shalt  }
0x4b: {  	_ =	shalt  }
0x4c: {  	_ =	shalt  }
0x4d: {  	_ =	shalt  }
0x4e: {  	_ =	shalt  }
0x4f: {  	_ =	shalt  }
0x50: {  	_ =	shalt  }
0x51: {  	_ =	shalt  }
0x52: {  	_ =	shalt  }
0x53: {  	_ =	shalt  }
0x54: {  	_ =	shalt  }
0x55: {  	_ =	shalt  }
0x56: {  	_ =	shalt  }
0x57: {  	_ =	shalt  }
0x58: {  	_ =	shalt  }
0x59: {  	_ =	shalt  }
0x5a: {  	_ =	shalt  }
0x5b: {  	_ =	shalt  }
0x5c: {  	_ =	shalt  }
0x5d: {  	_ =	shalt  }
0x5e: {  	_ =	shalt  }
0x5f: {  	_ =	shalt  }
0x60: {  	_ =	shalt  }
0x61: {  	_ =	shalt  }
0x62: {  	_ =	shalt  }
0x63: {  	_ =	shalt  }
0x64: {  	_ =	shalt  }
0x65: {  	_ =	shalt  }
0x66: {  	_ =	shalt  }
0x67: {  	_ =	shalt  }
0x68: {  	_ =	shalt  }
0x69: {  	_ =	shalt  }
0x6a: {  	_ =	shalt  }
0x6b: {  	_ =	shalt  }
0x6c: {  	_ =	shalt  }
0x6d: {  	_ =	shalt  }
0x6e: {  	_ =	shalt  }
0x6f: {  	_ =	shalt  }
0x70: {  	_ =	shalt  }
0x71: {  	_ =	shalt  }
0x72: {  	_ =	shalt  }
0x73: {  	_ =	shalt  }
0x74: {  	_ =	shalt  }
0x75: {  	_ =	shalt  }
0x76: {  	_ =	shalt  }
0x77: {  	_ =	shalt  }
0x78: {  	_ =	shalt  }
0x79: {  	_ =	shalt  }
0x7a: {  	_ =	shalt  }
0x7b: {  	_ =	shalt  }
0x7c: {  	_ =	shalt  }
0x7d: {  	_ =	shalt  }
0x7e: {  	_ =	shalt  }
0x7f: {  	_ =	shalt  }
0x80: {  	_ =	shalt  }
0x81: {  	_ =	shalt  }
0x82: {  	_ =	shalt  }
0x83: {  	_ =	shalt  }
0x84: {  	_ =	shalt  }
0x85: {  	_ =	shalt  }
0x86: {  	_ =	shalt  }
0x87: {  	_ =	shalt  }
.Lfunc_end0:
.L_simem_size_0:
called_computation_lowered:
.L_overlay_start_0:
0x88: {  	s0 =	sld [smem:$0x3FD9]  }
0x89: {  	s1 =	sld [smem:$0x3FFE];
	_ =	sdelay $0x3  }
0x8a: {  	s0 =	sadd.s32 s1, s0  }
0x8b: {  	[smem:$0x3FC6] =	sst s0  }
0x8c: {  	_ = 	snop  }
0x8d: {  	s0 =	sld [smem:$0x3FD0];
	(tm) =	ssettm $0x1  }
0x8e: {  	s16 =	sld [smem:$0x3FFB];
	_ =	sdelay $0x3  }
0x8f: {  	_ =	strace s16  }
0x90: {  	s1 =	sld [smem:$0x3FFC];
	_ =	sdelay $0x3  }
0x91: {  	_ =	strace s1  }
0x92: {  	s1 =	sld [smem:$0x3FFD];
	_ =	sdelay $0x3  }
0x93: {  	_ =	strace s1  }
0x94: {  	_ =	strace $0x8FFFFFFF  }
0x95: {  	s17 =	sld [smem:$0x3FDB];
	_ =	sdelay $0x1  }
0x96: {  	s2 =	simm.s32 $_scs_section_size  }
0x97: {  	s3 =	simm.s32 $_size__tile_overlayer_lowered;
	s4 =	simm.s32 $_tile_overlayer_lowered  }
0x98: {  	s20 =	simm.s32 $0x1BFF;
	s19 =	sshll.u32 s4, $0x1;
	s1 =	sadd.s32 s2, s17  }
0x99: {  	s5 =	simm.s32 $0x0;
	s18 =	sshll.u32 s3, $0x1;
	s3 =	sadd.s32 s19, s1  }
0x9a: {  	[timem:s5], [sflag:s20] =	dma.local [hbm:s3], s18  }
0x9b: {  	_ =	swait.ge [sflag:s20], s18  }
0x9c: {  	s2 =	ssub.s32 $0x0, s18;
	[sflag:s20] =	ssyncset.done $0x0  }
0x9d: {  	[sflag:s20] =	ssyncadd.s32 s2;
	_ =	sdelay $0x1  }
0x9e: {  	s21 =	simm.s32 $0x1B8B  }
0x9f: {  	_ =	swait.ge [sflag:s21], $0x1  }
0xa0: {  	[sflag:s21] =	ssyncset.done $0x0  }
0xa1: {  	s23 =	simm.s32 $0x1B8E;
	s22 =	sld [smem:$0x3FFE];
	[sflag:s21] =	ssyncadd.s32 $0xFFFFFFFF  }
0xa2: {  	s24 =	simm.s32 $execute0_lowered;
	[smem:$0x3FD2] =	sst s23  }
0xa3: {  	s3 =	sshll.u32 s24, $0x1;
	_ =	strace $0x80000046;
	[dreg:$0x1] =	wrdreg $0xFFFFFFFF  }
0xa4: {  	s25 =	simm.s32 $_size_execute0_lowered;
	s1 =	sadd.s32 s1, s3;
	[dreg:$0x0] =	wrdreg $0x0  }
0xa5: {  	s3 =	sshll.u32 s25, $0x1;
	[dreg:$0x2] =	wrdreg s1  }
0xa6: {  	[dreg:$0x3] =	wrdreg s3  }
0xa7: {  	[dreg:$0x4] =	wrdreg $0xC0  }
0xa8: {  	_ =	task [dreg:s5], $0x5FFFF  }
0xa9: {  	[dreg:$0x1] =	wrdreg $0xFFFFFFFF  }
0xaa: {  	[dreg:$0x0] =	wrdreg $0x60  }
0xab: {  	[dreg:$0x2] =	wrdreg s22  }
0xac: {  	[dreg:$0x3] =	wrdreg s0  }
0xad: {  	[dreg:$0x4] =	wrdreg $0x9  }
0xae: {  	_ =	task.clear_ibuf [dreg:s5], $0x5FFFF;
	_ =	strace $0x90000046  }
0xaf: {  	s26 =	simm.s32 $0x9;
	_ =	strace $0x80000048  }
0xb0: {  	_ =	swait.ge [sflag:s26], $0x1  }
0xb1: {  	[sflag:s26] =	ssyncadd.s32 $0xFFFFFFFF  }
0xb2: {  	_ =	strace $0x90000048  }
0xb3: {  	_ =	sfence  }
0xb4: {  	s28 =	sld [smem:$0x0];
	_ =	sdelay $0x1  }
0xb5: {  	s29 =	srdreg.scid  }
0xb6: {  	s30 =	sshll.u32 s29, $0xD;
	s31 =	sshrl.u32 s29, $0x2  }
0xb7: {  	s2 =	sand.u32 $0x4000, s30;
	s1 =	sand.u32 $0x1, s29;
	s0 =	sadd.s32 s31, s28  }
0xb8: {  	s1 =	sor.u32 s2, s1;
	s0 =	sshll.u32 s0, $0x11  }
0xb9: {  	s0 =	sor.u32 s0, s1  }
0xba: {  	s0 =	sadd.s32 $0x8F2B, s0  }
0xbb: {  	[sflag:s0] =	ssyncadd.remote.s32 $0x1  }
0xbc: {  	_ =	sfence.sel $0xFFFF  }
0xbd: {  	[dreg:$0x0] =	wrdreg $0xFFFFFFFF;
	(pc) =	sbr.abs _section_cstart, $3  }
0xbe: {  	[dreg:$0x1] =	wrdreg $0xFFFFFFFF  }
0xbf: {  	_ =	task.clear_ibuf [dreg:s5], $0x2FFFF;
	_ =	strace $0x9FFFFFFF  }
0xc0: {  	(tm) =	ssettm $0x7FFFFFFF  }
0xc1: {  	_ =	shalt  }
tec
execute0_lowered:
.L_overlay_start_1:
0x0: {  	(tag) =	ssettag $0x1  }
0x1: {  	s0 =	stileid.u32  }
0x2: {  	s1 =	smin.u32 s0, $0x9  }
0x3: {  	s1 =	sadd.s32 s0, s1  }
0x4: {  	s2 =	simm.s32 $0xA0;
	p0 =	slt.u32 s0, $0x9;
	s1 =	smul.u32 $0x50, s1  }
0x5: {  	s2 =	simm.s32 @!p0 $0x50  }
0x6: {  	s2 =	sadd.s32 s2, s1  }
0x7: {  	s3 =	smin.u32 s2, $0x7D0  }
0x8: {  	s7 =	ssub.s32 s3, s1  }
0x9: {  	p0 =	sgt.s32 s7, $0x0  }
0xa: {  	s7 =	simm.s32 @!p0 $0x0  }
0xb: {  	s9 =	rddreg [dreg:$0x0];
	s31 =	smul.u32 $0xCCCD, s7  }
0xc: {  	s4 =	rddreg [dreg:$0x1];
	s6 =	simm.s32 $0x1  }
0xd: {  	s11 =	simm.s32 $0x3;
	s13 =	simm.s32 $0x0;
	s8 =	sshrl.u32 s31, $0x16  }
0xe: {  	s12 =	simm.s32 $0x0;
	s5 =	sadd.s32 $0x200, s9;
	s10 =	smul.u32 $0x50, s8  }
.Ltmp0:
0xf: {  	s9 =	sadd.s32 $0x4E400, s9;
	s2 =	rddreg [dreg:$0x2];
	(pc) =	sbr.rel .LBB2_1-.Ltmp0, $4  }
0x10: {  	_ =	strace $0x80000047;
	p0 =	sne.s32 s7, s10;
	s10 =	simm.s32 $0x1  }
0x11: {  	[sflag:s6] =	ssyncpa.u1 $0x0;
	s7 =	simm.s32 $0x2;
	s10 =	simm.s32 @!p0 $0x0  }
0x12: {  	[sflag:s7] =	ssyncpa.u1 $0x0;
	p0 =	por $0x0, $0x0;
	s8 =	sadd.s32 s8, s10  }
0x13: {  	vm0 =	vmmov $0xff;
	vm1 =	vcmask $0x3F20;
	[sflag:s11] =	ssyncpa.u1 $0x0;
	s11 =	smov.u32 s1;
	s10 =	sadd.s32 $0x1, s8  }
.LBB2_6:
0x14: {  	[hbm:s17] =	stream.linear.scatter [tilespmem:s14], [sflag:$0x3], $0x400, $0x38;
	[tilespmem:$0x50A0] =	vst v63  }
.LBB2_7:
0x15: {  	s13 =	sadd.s32 $0x50, s11  }
0x16: {  	s15 =	smov.u32 s1;
	p2 =	slt.s32 s13, s3  }
0x17: {  	s15 =	smov.u32 @p2 s13;
	p2 =	sne.s32 s12, s10  }
.Ltmp1:
0x18: {  	p1 =	slt.u32 s12, $0x2;
	(pc) =	sbr.rel @!p2 .LBB2_8-.Ltmp1, $4  }
0x19: {  	s14 =	simm.s32 @!p1 $0x3  }
0x1a: {  	s16 =	sadd.s32 $0x1, s12;
	_ =	swait.ge @!p1 [sflag:s14], $0x2800  }
0x1b: {  	p0 =	por !p0, !p0;
	s13 =	smov.u32 s11;
	[sflag:s14] =	ssyncset.done @!p1 $0x0  }
0x1c: {  	s12 =	smov.u32 s16;
	s11 =	smov.u32 s15;
	[sflag:s14] =	ssyncadd.s32 @!p1 $0xFFFFD800  }
.LBB2_1:
0x1d: {  	p1 =	sge.u32 s12, s8  }
0x1e: {  	s14 =	sxor.u32 @!p1 $0xFFFFFFFF, s12  }
0x1f: {  	s14 =	sand.u32 @!p1 $0x1, s14  }
0x20: {  	s14 =	smul.u32 @!p1 $0x140, s14  }
0x21: {  	s31 =	sadd.s32 $0xFFFFFFFF, s12;
	s15 =	sshrl.u32 @!p1 s11, $0x3  }
0x22: {  	s16 =	sand.u32 @!p1 $0x7, s11;
	s15 =	sadd.s32 @!p1 s4, s15;
	s14 =	sshrl.u32 @!p1 s14, $0x2  }
0x23: {  	[tilespmem:s14], [sflag:$0x2] =	stream.linear.gather @!p1 [hbm4b:s15+s16], $0x50, $0x38;
	[tilespmem:$0x50A0] =	vst v63  }
0x24: {  	p1 =	sge.u32 s31, s8  }
.Ltmp2:
0x25: {  	_ = 	snop;
	(pc) =	sbr.rel @p1 .LBB2_7-.Ltmp2, $1  }
0x26: {  	_ =	sdelay $0x3  }
0x27: {  	s14 =	simm.s32 $0x1  }
0x28: {  	s14 =	simm.s32 @!p0 $0x0  }
0x29: {  	s15 =	smul.u32 $0x140, s14  }
0x2a: {  	_ =	swait.ge [sflag:s7], $0x50  }
0x2b: {  	[sflag:s7] =	ssyncset.done $0x0;
	s16 =	sshrl.u32 s15, $0x2  }
0x2c: {  	[sflag:s7] =	ssyncadd.s32 $0xFFFFFFB0;
	s15 =	sadd.s32 $0x0, s16  }
0x2d: {  	v0 =	vld.msk [tilespmem:s15+$0x0 ss:$0x1], $0xffff;
	_ =	sdelay $0x4  }
0x2e: {  	vm2 =	vgt.s32 v0, $0x0  }
0x2f: {  	v0 =	vnsel vm2, $0x0, v0  }
0x30: {  	v0 =	vmin.u32 v0, $0x4E1F  }
0x31: {  	v0 =	vshll.u32 v0, $0x4  }
0x32: {  	s14 =	smul.u32 $0xA000, s14;
	_ =	sdelay $0x1  }
0x33: {  	s14 =	sshrl.u32 s14, $0x2  }
0x34: {  	s14 =	sor.u32 $0xA0, s14  }
0x35: {  	[tilespmem:s14], [sflag:$0x1] =	stream.indirect_vreg.gather [hbm:s5], $0x80, v0, vm0, $0x38;
	[tilespmem:$0x50A0] =	vst v63  }
0x36: {  	s17 =	sadd.s32 $0x10, s16;
	s15 =	sadd.s32 $0x400, s14  }
0x37: {  	[tilespmem:s15], [sflag:$0x1] =	stream.indirect_vreg.gather [hbm:s5], $0x80, v0, vm1, $0x38;
	[tilespmem:$0x50A0] =	vst v63  }
0x38: {  	s18 =	simm.s32 $0x80;
	v0 =	vld.msk [tilespmem:s17+$0x0 ss:$0x1], $0xffff;
	s17 =	smov.u32 s14  }
.LBB2_3:
0x39: {  	p1 =	sne.s32 s18, $0x100;
	_ =	sdelay $0x4  }
0x3a: {  	vm2 =	vgt.s32 v0, $0x0  }
0x3b: {  	v0 =	vnsel vm2, $0x0, v0  }
0x3c: {  	v0 =	vmin.u32 v0, $0x4E1F  }
0x3d: {  	v0 =	vshll.u32 v0, $0x4;
	_ =	sdelay $0x3  }
.Ltmp3:
0x3e: {  	s19 =	sshra.s32 s18, $0x2;
	s17 =	sadd.s32 $0x800, s17;
	(pc) =	sbr.rel @p1 .LBB2_3-.Ltmp3, $4  }
0x3f: {  	[tilespmem:s17], [sflag:$0x1] =	stream.indirect_vreg.gather [hbm:s5], $0x80, v0, vm0, $0x38;
	[tilespmem:$0x50A0] =	vst v63  }
0x40: {  	s19 =	sadd.s32 s19, s16;
	s20 =	sadd.s32 $0x400, s17  }
0x41: {  	[tilespmem:s20], [sflag:$0x1] =	stream.indirect_vreg.gather [hbm:s5], $0x80, v0, vm1, $0x38;
	[tilespmem:$0x50A0] =	vst v63  }
0x42: {  	s18 =	sadd.s32 $0x40, s18;
	v0 =	vld.msk [tilespmem:s19+$0x0 ss:$0x1], $0xffff  }
0x43: {  	_ =	sdelay $0x3  }
0x44: {  	vm2 =	vgt.s32 v0, $0x0  }
0x45: {  	v0 =	vnsel vm2, $0x0, v0  }
0x46: {  	v0 =	vmin.u32 v0, $0x4E1F  }
0x47: {  	v0 =	vshll.u32 v0, $0x4;
	_ =	sdelay $0x3  }
0x48: {  	s16 =	sadd.s32 $0x800, s17  }
0x49: {  	[tilespmem:s16], [sflag:$0x1] =	stream.indirect_vreg.gather [hbm:s5], $0x80, v0, vm0, $0x38;
	[tilespmem:$0x50A0] =	vst v63  }
0x4a: {  	s16 =	sadd.s32 $0x400, s16  }
0x4b: {  	[tilespmem:s16], [sflag:$0x1] =	stream.indirect_vreg.gather [hbm:s5], $0x80, v0, vm1, $0x38;
	[tilespmem:$0x50A0] =	vst v63  }
0x4c: {  	s13 =	sshll.u32 s13, $0x4;
	_ =	swait.ge [sflag:s6], $0x2800  }
0x4d: {  	s13 =	sadd.s32 s13, s9;
	[sflag:s6] =	ssyncset.done $0x0  }
0x4e: {  	s17 =	sadd.s32 $0x0, s13;
	s16 =	simm.s32 $0x80;
	[sflag:s6] =	ssyncadd.s32 $0xFFFFD800  }
.LBB2_5:
0x4f: {  	[hbm:s17] =	stream.linear.scatter [tilespmem:s14], [sflag:$0x3], $0x400, $0x38;
	[tilespmem:$0x50A0] =	vst v63  }
0x50: {  	s17 =	smov.u32 s16;
	s14 =	smov.u32 s15;
	p1 =	sne.s32 s16, $0x480  }
.Ltmp4:
0x51: {  	s16 =	sadd.s32 $0x80, s16;
	(pc) =	sbr.rel @p1 .LBB2_5-.Ltmp4, $2  }
0x52: {  	_ =	sdelay $0x2  }
0x53: {  	s15 =	sadd.s32 $0x400, s15;
	s17 =	sadd.s32 s17, s13  }
.Ltmp5:
0x54: {  	_ = 	snop;
	(pc) =	sbr.rel .LBB2_6-.Ltmp5, $1  }
0x55: {  	_ =	sdelay $0x3  }
.LBB2_8:
0x56: {  	_ =	sfence.sel $0x180000  }
0x57: {  	s1 =	simm.s32 $0x2;
	[bflag:$0x0] =	sbarrier.arrive $0xFFFF  }
0x58: {  	s30 =	simm.s32 $0x3;
	[sflag:s1] =	ssyncpa.u1 $0x1  }
0x59: {  	s31 =	simm.s32 $0x1;
	[sflag:s30] =	ssyncpa.u1 $0x1  }
0x5a: {  	[sflag:s31] =	ssyncpa.u1 $0x1  }
0x5b: {  	p0 =	sne.s32 s0, $0x0;
	_ =	strace $0x90000047  }
0x5c: {  	s0 =	sadd.s32 @!p0 $0x100000, s2;
	[bflag:$0x2] =	sbarrier.arrive $0xFFFF  }
0x5d: {  	[sflag:s0] =	ssyncadd.tile.s32 @!p0 $0x1;
	_ =	shalt  }
.Lfunc_end2:
_tile_overlayer_lowered:
.L_overlay_start_2:
0x5e: {  	(tag) =	ssettag $0x2  }
0x5f: {  	s0 =	rddreg [dreg:$0x0];
	s2 =	stileid.u32  }
0x60: {  	s1 =	rddreg [dreg:$0x1];
	p0 =	sne.s32 s2, $0x0  }
0x61: {  	s3 =	rddreg [dreg:$0x2];
	[bflag:$0x3] =	sbarrier.arrive $0xFFFF;
	s2 =	simm.s32 @!p0 $0x1C01  }
0x62: {  	[timem:s3], [sflag:s2] =	dma.local @!p0 [hbm:s0], s1  }
0x63: {  	s0 =	simm.s32 @!p0 $0x1  }
0x64: {  	_ =	swait.ge @!p0 [sflag:s0], s1  }
0x65: {  	s1 =	ssub.s32 @!p0 $0x0, s1;
	[sflag:s0] =	ssyncset.done @!p0 $0x0  }
0x66: {  	[sflag:s0] =	ssyncadd.s32 @!p0 s1  }
0x67: {  	[bflag:$0x3] =	sbarrier.arrive $0xFFFF  }
0x68: {  	_ =	shalt  }

</sc_bundles>
